<compile_context>
chip_gen: v7x
topology: tpu7x:2x2x1
jax: 0.10.2.dev20260603
libtpu: 0.0.44.dev20260713+nightly
codegen_flags: <defaults>
</compile_context>

<pallas_src>
import jax
import jax.numpy as jnp
import numpy as np
from jax import lax
from jax.experimental import pallas as pl
from jax.experimental.pallas import tpu as pltpu
from jax.experimental.pallas import tpu_sc as plsc

_NC = 1
_NS = 16
_NW = _NC * _NS
_L = 16


def _build_table() -> np.ndarray:
    months = np.arange(1, 13, dtype=np.float16)
    days = np.arange(1, 32, dtype=np.float16)
    months[::2] = np.sin(months[::2])
    months[1::2] = np.cos(months[1::2])
    days[::2] = np.sin(days[::2])
    days[1::2] = np.cos(days[1::2])
    table = (months[:, None] + days[None, :]).astype(np.float32)
    return np.pad(table, ((0, 0), (0, 1)))


_TABLE_F32 = _build_table()


def _make_sc_call(nt):
    tpw = nt // _NW

    def _body(enc_hbm, dates_hbm, src_hbm, out_hbm,
              table_v, dates_v, src_v, sem0, sem1, sem2):
        wid = lax.axis_index("s") * _NC + lax.axis_index("c")
        c0 = pltpu.async_copy(enc_hbm, table_v, sem0)
        c1 = pltpu.async_copy(
            dates_hbm.at[:, pl.ds(wid * tpw, tpw)], dates_v, sem1)
        c2 = pltpu.async_copy(src_hbm.at[pl.ds(wid * tpw, tpw)], src_v, sem2)
        c0.wait()
        c1.wait()
        c2.wait()
        n_groups = tpw * 4 * (128 // _L)

        @plsc.parallel_loop(0, n_groups, unroll=8)
        def _group(g):
            ci = g >> 5
            r = (g >> 3) & 3
            cc0 = (g & 7) * _L
            m = dates_v[r, ci, 0, pl.ds(cc0, _L)]
            d = dates_v[r, ci, 1, pl.ds(cc0, _L)]
            e = plsc.load_gather(table_v, [m, d])
            src_v[ci, r, pl.ds(cc0, _L)] = src_v[ci, r, pl.ds(cc0, _L)] + e

        pltpu.sync_copy(src_v, out_hbm.at[pl.ds(wid * tpw, tpw)])

    return pl.kernel(
        _body,
        out_type=jax.ShapeDtypeStruct((nt, 4, 128), jnp.float32),
        mesh=plsc.VectorSubcoreMesh(
            core_axis_name="c", subcore_axis_name="s", num_cores=_NC),
        scratch_types=[
            pltpu.VMEM((12, 32), jnp.float32),
            pltpu.VMEM((4, tpw, 2, 128), jnp.int32),
            pltpu.VMEM((tpw, 4, 128), jnp.float32),
            pltpu.SemaphoreType.DMA,
            pltpu.SemaphoreType.DMA,
            pltpu.SemaphoreType.DMA,
        ],
        compiler_params=pltpu.CompilerParams(
            needs_layout_passes=False, skip_device_barrier=True),
    )


def kernel(src, dates, encoding):
    b, s = src.shape
    nt = s // 128
    enc_pad = jnp.pad(encoding.astype(jnp.float32), ((0, 0), (0, 1)))
    src_p = src.reshape(b, nt, 128).transpose(1, 0, 2)
    dates_p = dates.reshape(b, nt, 128, 2).transpose(0, 1, 3, 2)
    out_p = _make_sc_call(nt)(enc_pad, dates_p, src_p)
    return out_p.transpose(1, 0, 2).reshape(b, s)

# --- scband reference (transcript-rebuilt; emitter-appended) ---
"""Pipeline reference for scband-date-encoding-80874234183762 (READ-ONLY COPY).

The authoritative reference and input builder live on the scoring server;
editing this copy changes nothing except your own understanding.
"""

import jax, jax.numpy as jnp
import numpy as np

D_MODEL = 2

def _build_encoding():
    months = jnp.arange(1, 13, dtype=jnp.float16)
    days = jnp.arange(1, 32, dtype=jnp.float16)
    _2i = jnp.arange(0, D_MODEL, 2, dtype=jnp.float16)  # length 1 when d_model=2
    denom = 10000.0 ** (_2i / D_MODEL)  # == 1.0
    months = months.at[::2].set(jnp.sin(months[::2] / denom))
    months = months.at[1::2].set(jnp.cos(months[1::2] / denom))
    days = days.at[::2].set(jnp.sin(days[::2] / denom))
    days = days.at[1::2].set(jnp.cos(days[1::2] / denom))
    months_t = jnp.tile(months, (31, 1)).T  # (12, 31)
    days_t = jnp.tile(days, (12, 1))        # (12, 31)
    return months_t + days_t                 # (12, 31) float16

def setup_inputs(seed: int = 0) -> dict:
    key = jax.random.key(seed)
    k1, k2 = jax.random.split(key)
    src = jax.random.normal(k1, (4, 8192), dtype=jnp.float32)
    dates = jax.random.randint(k2, (4, 8192, 2), 0, 12, dtype=jnp.int32)
    encoding = _build_encoding()
    return {"src": src, "dates": dates, "encoding": encoding}

def reference(src, dates, encoding):
    encoded = encoding[dates[..., 0], dates[..., 1]]  # gather -> (4, 8192)
    return src + encoded

if __name__ == "__main__":
    import jax
    _d = setup_inputs()
    print(jax.jit(kernel)(*tuple(_d.values())))

</pallas_src>

<mosaic_0001>
#map = affine_map<(d0, d1) -> (0, 0)>
#map1 = affine_map<(d0, d1) -> (0, 0, 0, 0)>
#map2 = affine_map<(d0, d1) -> (0, 0, 0)>
module attributes {stable_mosaic.version = 14 : i64} {
  func.func @_body(%arg0: i32, %arg1: i32, %arg2: memref<12x32xf32, #tpu.memory_space<hbm>>, %arg3: memref<4x64x2x128xi32, #tpu.memory_space<hbm>>, %arg4: memref<64x4x128xf32, #tpu.memory_space<hbm>>, %arg5: memref<64x4x128xf32, #tpu.memory_space<hbm>>, %arg6: memref<12x32xf32, #tpu.memory_space<vmem>>, %arg7: memref<4x4x2x128xi32, #tpu.memory_space<vmem>>, %arg8: memref<4x4x128xf32, #tpu.memory_space<vmem>>, %arg9: memref<!tpu.dma_semaphore, #tpu.memory_space<semaphore_mem>>, %arg10: memref<!tpu.dma_semaphore, #tpu.memory_space<semaphore_mem>>, %arg11: memref<!tpu.dma_semaphore, #tpu.memory_space<semaphore_mem>>) attributes {dimension_semantics = [#tpu.dimension_semantics<core_parallel>, #tpu.dimension_semantics<subcore_parallel>], iteration_bounds = array<i64: 1, 16>, scalar_prefetch = 0 : i64, scratch_operands = 6 : i64, tpu.core_type = #tpu.core_type<sc_vector_subcore>, window_params = [{transform_indices = #map}, {transform_indices = #map1}, {transform_indices = #map2}, {transform_indices = #map2}]} {
    %mul3A = arith.constant 1 : i32
    %mul3A_0 = arith.muli %arg1, %mul3A : i32
    %add3A = arith.addi %mul3A_0, %arg0 : i32
    tpu.enqueue_dma source(%arg2 : memref<12x32xf32, #tpu.memory_space<hbm>>) target(%arg6 : memref<12x32xf32, #tpu.memory_space<vmem>>) target_semaphore(%arg9 : memref<!tpu.dma_semaphore, #tpu.memory_space<semaphore_mem>>)
    %mul3A_1 = arith.constant 4 : i32
    %mul3A_2 = arith.muli %add3A, %mul3A_1 : i32
    %dma_start3A = arith.constant 0 : i32
    %dma_start3A_3 = arith.constant 0 : i32
    %dma_start3A_4 = arith.constant 0 : i32
    %dma_start3A_5 = tpu.memref_slice %arg3[%dma_start3A, %mul3A_2, %dma_start3A_3, %dma_start3A_4] : memref<4x64x2x128xi32, #tpu.memory_space<hbm>> -> memref<4x4x2x128xi32, #tpu.memory_space<hbm>>
    %dma_start3A_6 = arith.constant 0 : i32
    %dma_start3A_7 = arith.constant 0 : i32
    %dma_start3A_8 = arith.constant 0 : i32
    %dma_start3A_9 = tpu.memref_slice %arg3[%dma_start3A_6, %mul3A_2, %dma_start3A_7, %dma_start3A_8] : memref<4x64x2x128xi32, #tpu.memory_space<hbm>> -> memref<4x4x2x128xi32, #tpu.memory_space<hbm>>
    tpu.enqueue_dma source(%dma_start3A_9 : memref<4x4x2x128xi32, #tpu.memory_space<hbm>>) target(%arg7 : memref<4x4x2x128xi32, #tpu.memory_space<vmem>>) target_semaphore(%arg10 : memref<!tpu.dma_semaphore, #tpu.memory_space<semaphore_mem>>)
    %mul3A_10 = arith.constant 4 : i32
    %mul3A_11 = arith.muli %add3A, %mul3A_10 : i32
    %dma_start3A_12 = arith.constant 0 : i32
    %dma_start3A_13 = arith.constant 0 : i32
    %dma_start3A_14 = tpu.memref_slice %arg4[%mul3A_11, %dma_start3A_12, %dma_start3A_13] : memref<64x4x128xf32, #tpu.memory_space<hbm>> -> memref<4x4x128xf32, #tpu.memory_space<hbm>>
    %dma_start3A_15 = arith.constant 0 : i32
    %dma_start3A_16 = arith.constant 0 : i32
    %dma_start3A_17 = tpu.memref_slice %arg4[%mul3A_11, %dma_start3A_15, %dma_start3A_16] : memref<64x4x128xf32, #tpu.memory_space<hbm>> -> memref<4x4x128xf32, #tpu.memory_space<hbm>>
    tpu.enqueue_dma source(%dma_start3A_17 : memref<4x4x128xf32, #tpu.memory_space<hbm>>) target(%arg8 : memref<4x4x128xf32, #tpu.memory_space<vmem>>) target_semaphore(%arg11 : memref<!tpu.dma_semaphore, #tpu.memory_space<semaphore_mem>>)
    tpu.wait_dma2 semaphore(%arg9 : memref<!tpu.dma_semaphore, #tpu.memory_space<semaphore_mem>>) src(%arg2 : memref<12x32xf32, #tpu.memory_space<hbm>>) dst(%arg6 : memref<12x32xf32, #tpu.memory_space<vmem>>)
    %dma_wait3A = arith.constant 0 : i32
    %dma_wait3A_18 = arith.constant 0 : i32
    %dma_wait3A_19 = arith.constant 0 : i32
    %dma_wait3A_20 = tpu.memref_slice %arg3[%dma_wait3A, %mul3A_2, %dma_wait3A_18, %dma_wait3A_19] : memref<4x64x2x128xi32, #tpu.memory_space<hbm>> -> memref<4x4x2x128xi32, #tpu.memory_space<hbm>>
    %dma_wait3A_21 = arith.constant 0 : i32
    %dma_wait3A_22 = arith.constant 0 : i32
    %dma_wait3A_23 = arith.constant 0 : i32
    %dma_wait3A_24 = tpu.memref_slice %arg3[%dma_wait3A_21, %mul3A_2, %dma_wait3A_22, %dma_wait3A_23] : memref<4x64x2x128xi32, #tpu.memory_space<hbm>> -> memref<4x4x2x128xi32, #tpu.memory_space<hbm>>
    tpu.wait_dma2 semaphore(%arg10 : memref<!tpu.dma_semaphore, #tpu.memory_space<semaphore_mem>>) src(%dma_wait3A_24 : memref<4x4x2x128xi32, #tpu.memory_space<hbm>>) dst(%arg7 : memref<4x4x2x128xi32, #tpu.memory_space<vmem>>)
    %dma_wait3A_25 = arith.constant 0 : i32
    %dma_wait3A_26 = arith.constant 0 : i32
    %dma_wait3A_27 = tpu.memref_slice %arg4[%mul3A_11, %dma_wait3A_25, %dma_wait3A_26] : memref<64x4x128xf32, #tpu.memory_space<hbm>> -> memref<4x4x128xf32, #tpu.memory_space<hbm>>
    %dma_wait3A_28 = arith.constant 0 : i32
    %dma_wait3A_29 = arith.constant 0 : i32
    %dma_wait3A_30 = tpu.memref_slice %arg4[%mul3A_11, %dma_wait3A_28, %dma_wait3A_29] : memref<64x4x128xf32, #tpu.memory_space<hbm>> -> memref<4x4x128xf32, #tpu.memory_space<hbm>>
    tpu.wait_dma2 semaphore(%arg11 : memref<!tpu.dma_semaphore, #tpu.memory_space<semaphore_mem>>) src(%dma_wait3A_30 : memref<4x4x128xf32, #tpu.memory_space<hbm>>) dst(%arg8 : memref<4x4x128xf32, #tpu.memory_space<vmem>>)
    %parallel_loop3A = arith.constant 0 : i32
    %parallel_loop3A_31 = arith.constant 128 : i32
    %parallel_loop3A_32 = arith.constant 1 : i32
    scf.for %parallel_loop3A_35 = %parallel_loop3A to %parallel_loop3A_31 step %parallel_loop3A_32  : i32 {
      %parallel_loop3A_36 = arith.constant 5 : i32
      %parallel_loop3A_37 = arith.shrsi %parallel_loop3A_35, %parallel_loop3A_36 : i32
      %parallel_loop3A_38 = arith.constant 3 : i32
      %parallel_loop3A_39 = arith.shrsi %parallel_loop3A_35, %parallel_loop3A_38 : i32
      %parallel_loop3A_40 = arith.constant 3 : i32
      %parallel_loop3A_41 = arith.andi %parallel_loop3A_39, %parallel_loop3A_40 : i32
      %parallel_loop3A_42 = arith.constant 7 : i32
      %parallel_loop3A_43 = arith.andi %parallel_loop3A_35, %parallel_loop3A_42 : i32
      %parallel_loop3A_44 = arith.constant 16 : i32
      %parallel_loop3A_45 = arith.muli %parallel_loop3A_43, %parallel_loop3A_44 : i32
      %parallel_loop3A_46 = arith.constant 0 : i32
      %parallel_loop3A_47 = arith.index_cast %parallel_loop3A_41 : i32 to index
      %parallel_loop3A_48 = arith.index_cast %parallel_loop3A_37 : i32 to index
      %parallel_loop3A_49 = arith.index_cast %parallel_loop3A_46 : i32 to index
      %parallel_loop3A_50 = arith.index_cast %parallel_loop3A_45 : i32 to index
      %parallel_loop3A_51 = tpu.vector_load %arg7[%parallel_loop3A_47, %parallel_loop3A_48, %parallel_loop3A_49, %parallel_loop3A_50] {strides = array<i32>} : memref<4x4x2x128xi32, #tpu.memory_space<vmem>>, vector<16xi32>,
      %parallel_loop3A_52 = arith.constant 1 : i32
      %parallel_loop3A_53 = arith.index_cast %parallel_loop3A_41 : i32 to index
      %parallel_loop3A_54 = arith.index_cast %parallel_loop3A_37 : i32 to index
      %parallel_loop3A_55 = arith.index_cast %parallel_loop3A_52 : i32 to index
      %parallel_loop3A_56 = arith.index_cast %parallel_loop3A_45 : i32 to index
      %parallel_loop3A_57 = tpu.vector_load %arg7[%parallel_loop3A_53, %parallel_loop3A_54, %parallel_loop3A_55, %parallel_loop3A_56] {strides = array<i32>} : memref<4x4x2x128xi32, #tpu.memory_space<vmem>>, vector<16xi32>,
      %parallel_loop3A_58 = tpu.vector_load_idx %arg6[%parallel_loop3A_51, %parallel_loop3A_57] : memref<12x32xf32, #tpu.memory_space<vmem>>[vector<16xi32>, vector<16xi32>], vector<16xf32>,
      %parallel_loop3A_59 = arith.index_cast %parallel_loop3A_37 : i32 to index
      %parallel_loop3A_60 = arith.index_cast %parallel_loop3A_41 : i32 to index
      %parallel_loop3A_61 = arith.index_cast %parallel_loop3A_45 : i32 to index
      %parallel_loop3A_62 = tpu.vector_load %arg8[%parallel_loop3A_59, %parallel_loop3A_60, %parallel_loop3A_61] {strides = array<i32>} : memref<4x4x128xf32, #tpu.memory_space<vmem>>, vector<16xf32>,
      %parallel_loop3A_63 = arith.addf %parallel_loop3A_62, %parallel_loop3A_58 : vector<16xf32>
      %parallel_loop3A_64 = arith.index_cast %parallel_loop3A_37 : i32 to index
      %parallel_loop3A_65 = arith.index_cast %parallel_loop3A_41 : i32 to index
      %parallel_loop3A_66 = arith.index_cast %parallel_loop3A_45 : i32 to index
      %parallel_loop3A_67 = tpu.vector_load %arg8[%parallel_loop3A_64, %parallel_loop3A_65, %parallel_loop3A_66] {strides = array<i32>} : memref<4x4x128xf32, #tpu.memory_space<vmem>>, vector<16xf32>,
      tpu.vector_store %arg8[%parallel_loop3A_64, %parallel_loop3A_65, %parallel_loop3A_66], %parallel_loop3A_63 {strides = array<i32>} : memref<4x4x128xf32, #tpu.memory_space<vmem>>, vector<16xf32>,
    } {sc.loop_unroll_factor = 8 : i64, sc.parallel_access}
    %mul3A_33 = arith.constant 4 : i32
    %mul3A_34 = arith.muli %add3A, %mul3A_33 : i32
    "tpu.region"() ({
      %run_scoped3A = tpu.sem_alloc : memref<!tpu.dma_semaphore, #tpu.memory_space<semaphore_mem>>
      %dma_start3A_35 = arith.constant 0 : i32
      %dma_start3A_36 = arith.constant 0 : i32
      %dma_start3A_37 = tpu.memref_slice %arg5[%mul3A_34, %dma_start3A_35, %dma_start3A_36] : memref<64x4x128xf32, #tpu.memory_space<hbm>> -> memref<4x4x128xf32, #tpu.memory_space<hbm>>
      %dma_start3A_38 = arith.constant 0 : i32
      %dma_start3A_39 = arith.constant 0 : i32
      %dma_start3A_40 = tpu.memref_slice %arg5[%mul3A_34, %dma_start3A_38, %dma_start3A_39] : memref<64x4x128xf32, #tpu.memory_space<hbm>> -> memref<4x4x128xf32, #tpu.memory_space<hbm>>
      tpu.enqueue_dma source(%arg8 : memref<4x4x128xf32, #tpu.memory_space<vmem>>) target(%dma_start3A_40 : memref<4x4x128xf32, #tpu.memory_space<hbm>>) target_semaphore(%run_scoped3A : memref<!tpu.dma_semaphore, #tpu.memory_space<semaphore_mem>>)
      %dma_wait3A_41 = arith.constant 0 : i32
      %dma_wait3A_42 = arith.constant 0 : i32
      %dma_wait3A_43 = tpu.memref_slice %arg5[%mul3A_34, %dma_wait3A_41, %dma_wait3A_42] : memref<64x4x128xf32, #tpu.memory_space<hbm>> -> memref<4x4x128xf32, #tpu.memory_space<hbm>>
      %dma_wait3A_44 = arith.constant 0 : i32
      %dma_wait3A_45 = arith.constant 0 : i32
      %dma_wait3A_46 = tpu.memref_slice %arg5[%mul3A_34, %dma_wait3A_44, %dma_wait3A_45] : memref<64x4x128xf32, #tpu.memory_space<hbm>> -> memref<4x4x128xf32, #tpu.memory_space<hbm>>
      tpu.wait_dma2 semaphore(%run_scoped3A : memref<!tpu.dma_semaphore, #tpu.memory_space<semaphore_mem>>) src(%arg8 : memref<4x4x128xf32, #tpu.memory_space<vmem>>) dst(%dma_wait3A_46 : memref<4x4x128xf32, #tpu.memory_space<hbm>>)
      tpu.yield
    }) : () -> ()
    return
  }
}

</mosaic_0001>

<sc_bundles>
// kernel: kernel.3.cloned.1.call-start
scs
__scs_entry_jumppad:
0x0: {  	(pc) =	sbr.rel $0x88, $3  }
0x1: {  	(tag) =	ssettag $0x0;
	lr =	simm.s32 $0x1  }
0x2: {  	[smem:$0x3F9E] =	sst lr;
	_ =	strace $0xD0000000  }
0x3: {  	_ = 	snop  }
0x4: {  	_ = 	snop  }
0x5: {  	_ = 	snop  }
0x6: {  	_ = 	snop  }
0x7: {  	_ = 	snop  }
__scs_overlays_trampoline_lowered:
0x8: {  	[smem:$0x3FAD] =	sst s0  }
0x9: {  	[smem:$0x3FAE] =	sst s1  }
0xa: {  	[smem:$0x3FAF] =	sst s2  }
0xb: {  	[smem:$0x3FB0] =	sst s3  }
0xc: {  	[smem:$0x3FB1] =	sst s4  }
0xd: {  	[smem:$0x3FB2] =	sst s5  }
0xe: {  	[smem:$0x3FB3] =	sst s6  }
0xf: {  	[smem:$0x3FB4] =	sst s7  }
0x10: {  	[smem:$0x3FB5] =	sst s8  }
0x11: {  	[smem:$0x3FB6] =	sst s9;
	s0 =	simm.s32 @!p0 $0x0  }
0x12: {  	s1 =	sld [smem:$0x3F9C];
	s0 =	simm.s32 @p0 $0x1  }
0x13: {  	[smem:$0x3FB7] =	sst s0;
	s0 =	simm.s32 @!p1 $0x0  }
0x14: {  	s2 =	sld [smem:$0x3F9B];
	s0 =	simm.s32 @p1 $0x1  }
0x15: {  	[smem:$0x3FB8] =	sst s0;
	s0 =	simm.s32 @!p2 $0x0  }
0x16: {  	s3 =	sld [smem:$0x3FDB];
	s0 =	simm.s32 @p2 $0x1  }
0x17: {  	s4 =	simm.s32 $0x1BF5;
	[smem:$0x3FBA] =	sst s0  }
0x18: {  	s0 =	sld [smem:$0x3F9D];
	_ =	swait.ge [sflag:s4], $0x0  }
0x19: {  	s7 =	sld [smem:$0x3F9E]  }
0x1a: {  	s8 =	sadd.s32 $0xFFFFE003, lr  }
0x1b: {  	s9 =	sadd.s32 $0xFFFFFEF7, lr;
	s5 =	simm.s32 $0xFFFFFFFF;
	p2 =	slt.u32 s8, $0xFFFFF086  }
0x1c: {  	p1 =	slt.u32 s9, $0xF7A;
	s5 =	simm.s32 @!p2 $0x0  }
0x1d: {  	s5 =	simm.s32 @p1 $0x1;
	p0 =	seq.s32 s7, s2  }
0x1e: {  	s7 =	smul.u32 @!p0 $0xF7A, s2;
	p2 =	seq.s32 @!p0 s5, $0x0  }
0x1f: {  	s9 =	smul.u32 $0xF7A, s1;
	s8 =	simm.s32 @!p0 $0x1BF5;
	p2 =	por !p2, p0  }
0x20: {  	[sflag:s8] =	ssyncset.s32 @!p0 $0xFFFFF086;
	s6 =	sadd.s32 @!p0 s3, s7;
	s7 =	simm.s32 @!p0 $0x108  }
0x21: {  	s3 =	sadd.s32 s3, s9;
	s6 =	sadd.s32 @!p0 $0x88, s6;
	s7 =	simm.s32 @p2 $0x1082  }
0x22: {  	[simem:s7], [sflag:s8] =	dma.local @!p0 [hbm:s6], $0xF7A  }
0x23: {  	s9 =	sor.u32 $0xD0000000, s2;
	s6 =	simm.s32 $0x108;
	_ =	swait.ge @!p0 [sflag:s8], $0x0  }
0x24: {  	s3 =	sadd.s32 $0x88, s3;
	s6 =	simm.s32 @!p1 $0x1082;
	[sflag:s4] =	ssyncset.s32 $0xFFFFF086  }
0x25: {  	[simem:s6], [sflag:s4] =	dma.local [hbm:s3], $0xF7A  }
0x26: {  	[smem:$0x3F9E] =	sst s1;
	(tag) =	ssettag s2;
	_ =	strace s9  }
0x27: {  	s1 =	sld [smem:$0x3FAE]  }
0x28: {  	s2 =	sld [smem:$0x3FAF]  }
0x29: {  	s4 =	sld [smem:$0x3FB1]  }
0x2a: {  	p0 =	seq.s32 s5, $0x0;
	s5 =	sld [smem:$0x3FB2]  }
0x2b: {  	s6 =	sld [smem:$0x3FB3]  }
0x2c: {  	s7 =	sld [smem:$0x3FB4]  }
0x2d: {  	s3 =	simm.s32 $0x108;
	s8 =	sld [smem:$0x3FB5]  }
0x2e: {  	s3 =	simm.s32 @!p0 $0x1082;
	s9 =	sld [smem:$0x3FB6]  }
0x2f: {  	lr =	sadd.s32 s0, s3;
	s0 =	sld [smem:$0x3FAD]  }
0x30: {  	s3 =	sld [smem:$0x3FB0]  }
0x31: {  	[smem:$0x3FB9] =	sst s10  }
0x32: {  	s10 =	sld [smem:$0x3FB7];
	_ =	sdelay $0x3  }
0x33: {  	p0 =	seq.s32 s10, $0x1;
	s10 =	sld [smem:$0x3FB9];
	_ =	sdelay $0x3  }
0x34: {  	[smem:$0x3FB9] =	sst s10  }
0x35: {  	s10 =	sld [smem:$0x3FB8];
	_ =	sdelay $0x3  }
0x36: {  	p1 =	seq.s32 s10, $0x1;
	s10 =	sld [smem:$0x3FB9];
	_ =	sdelay $0x3  }
0x37: {  	[smem:$0x3FB9] =	sst s10  }
0x38: {  	s10 =	sld [smem:$0x3FBA]  }
0x39: {  	_ = 	snop;
	(pc) =	sbr.ind lr, $3  }
0x3a: {  	_ = 	snop  }
0x3b: {  	_ = 	snop  }
0x3c: {  	p2 =	seq.s32 s10, $0x1;
	s10 =	sld [smem:$0x3FB9]  }
0x3d: {  	_ =	shalt  }
0x3e: {  	_ =	shalt  }
0x3f: {  	_ =	shalt  }
0x40: {  	_ =	shalt  }
0x41: {  	_ =	shalt  }
0x42: {  	_ =	shalt  }
0x43: {  	_ =	shalt  }
0x44: {  	_ =	shalt  }
0x45: {  	_ =	shalt  }
0x46: {  	_ =	shalt  }
0x47: {  	_ =	shalt  }
0x48: {  	_ =	shalt  }
0x49: {  	_ =	shalt  }
0x4a: {  	_ =	shalt  }
0x4b: {  	_ =	shalt  }
0x4c: {  	_ =	shalt  }
0x4d: {  	_ =	shalt  }
0x4e: {  	_ =	shalt  }
0x4f: {  	_ =	shalt  }
0x50: {  	_ =	shalt  }
0x51: {  	_ =	shalt  }
0x52: {  	_ =	shalt  }
0x53: {  	_ =	shalt  }
0x54: {  	_ =	shalt  }
0x55: {  	_ =	shalt  }
0x56: {  	_ =	shalt  }
0x57: {  	_ =	shalt  }
0x58: {  	_ =	shalt  }
0x59: {  	_ =	shalt  }
0x5a: {  	_ =	shalt  }
0x5b: {  	_ =	shalt  }
0x5c: {  	_ =	shalt  }
0x5d: {  	_ =	shalt  }
0x5e: {  	_ =	shalt  }
0x5f: {  	_ =	shalt  }
0x60: {  	_ =	shalt  }
0x61: {  	_ =	shalt  }
0x62: {  	_ =	shalt  }
0x63: {  	_ =	shalt  }
0x64: {  	_ =	shalt  }
0x65: {  	_ =	shalt  }
0x66: {  	_ =	shalt  }
0x67: {  	_ =	shalt  }
0x68: {  	_ =	shalt  }
0x69: {  	_ =	shalt  }
0x6a: {  	_ =	shalt  }
0x6b: {  	_ =	shalt  }
0x6c: {  	_ =	shalt  }
0x6d: {  	_ =	shalt  }
0x6e: {  	_ =	shalt  }
0x6f: {  	_ =	shalt  }
0x70: {  	_ =	shalt  }
0x71: {  	_ =	shalt  }
0x72: {  	_ =	shalt  }
0x73: {  	_ =	shalt  }
0x74: {  	_ =	shalt  }
0x75: {  	_ =	shalt  }
0x76: {  	_ =	shalt  }
0x77: {  	_ =	shalt  }
0x78: {  	_ =	shalt  }
0x79: {  	_ =	shalt  }
0x7a: {  	_ =	shalt  }
0x7b: {  	_ =	shalt  }
0x7c: {  	_ =	shalt  }
0x7d: {  	_ =	shalt  }
0x7e: {  	_ =	shalt  }
0x7f: {  	_ =	shalt  }
0x80: {  	_ =	shalt  }
0x81: {  	_ =	shalt  }
0x82: {  	_ =	shalt  }
0x83: {  	_ =	shalt  }
0x84: {  	_ =	shalt  }
0x85: {  	_ =	shalt  }
0x86: {  	_ =	shalt  }
0x87: {  	_ =	shalt  }
.Lfunc_end0:
.L_simem_size_0:
called_computation_lowered:
.L_overlay_start_0:
0x88: {  	s0 =	sld [smem:$0x3FD9]  }
0x89: {  	s1 =	sld [smem:$0x3FFE];
	_ =	sdelay $0x3  }
0x8a: {  	s0 =	sadd.s32 s1, s0  }
0x8b: {  	[smem:$0x3FC5] =	sst s0  }
0x8c: {  	_ = 	snop  }
0x8d: {  	s0 =	sld [smem:$0x3FC9]  }
0x8e: {  	s16 =	sld [smem:$0x3FC8]  }
0x8f: {  	s2 =	sld [smem:$0x3FD0];
	(tm) =	ssettm $0x1  }
0x90: {  	s3 =	sld [smem:$0x3FFB];
	_ =	sdelay $0x3  }
0x91: {  	_ =	strace s3  }
0x92: {  	s3 =	sld [smem:$0x3FFC];
	_ =	sdelay $0x3  }
0x93: {  	_ =	strace s3  }
0x94: {  	s3 =	sld [smem:$0x3FFD];
	_ =	sdelay $0x3  }
0x95: {  	_ =	strace s3  }
0x96: {  	_ =	strace $0x8FFFFFFF  }
0x97: {  	s17 =	sld [smem:$0x3FDB];
	_ =	sdelay $0x1  }
0x98: {  	s4 =	simm.s32 $_scs_section_size  }
0x99: {  	s5 =	simm.s32 $_size__tile_overlayer_lowered;
	s6 =	simm.s32 $_tile_overlayer_lowered  }
0x9a: {  	s20 =	simm.s32 $0x1BFF;
	s19 =	sshll.u32 s6, $0x1;
	s3 =	sadd.s32 s4, s17  }
0x9b: {  	s7 =	simm.s32 $0x0;
	s18 =	sshll.u32 s5, $0x1;
	s5 =	sadd.s32 s19, s3  }
0x9c: {  	[timem:s7], [sflag:s20] =	dma.local [hbm:s5], s18  }
0x9d: {  	_ =	swait.ge [sflag:s20], s18  }
0x9e: {  	s4 =	ssub.s32 $0x0, s18;
	[sflag:s20] =	ssyncset.done $0x0  }
0x9f: {  	[sflag:s20] =	ssyncadd.s32 s4;
	_ =	sdelay $0x1  }
0xa0: {  	s21 =	simm.s32 $0x1B8B  }
0xa1: {  	_ =	swait.ge [sflag:s21], $0x1  }
0xa2: {  	[sflag:s21] =	ssyncset.done $0x0  }
0xa3: {  	s23 =	simm.s32 $0x1B8E;
	s22 =	sld [smem:$0x3FFE];
	[sflag:s21] =	ssyncadd.s32 $0xFFFFFFFF  }
0xa4: {  	s24 =	simm.s32 $execute0_lowered;
	[smem:$0x3FD2] =	sst s23  }
0xa5: {  	s5 =	sshll.u32 s24, $0x1;
	_ =	strace $0x80000046;
	[dreg:$0x1] =	wrdreg $0xFFFFFFFF  }
0xa6: {  	s25 =	simm.s32 $_size_execute0_lowered;
	s3 =	sadd.s32 s3, s5;
	[dreg:$0x0] =	wrdreg $0x0  }
0xa7: {  	s5 =	sshll.u32 s25, $0x1;
	[dreg:$0x2] =	wrdreg s3  }
0xa8: {  	[dreg:$0x3] =	wrdreg s5  }
0xa9: {  	[dreg:$0x4] =	wrdreg $0xC0  }
0xaa: {  	_ =	task [dreg:s7], $0x5FFFF  }
0xab: {  	[dreg:$0x1] =	wrdreg $0xFFFFFFFF  }
0xac: {  	[dreg:$0x0] =	wrdreg $0x60  }
0xad: {  	[dreg:$0x2] =	wrdreg s22  }
0xae: {  	[dreg:$0x3] =	wrdreg s16  }
0xaf: {  	[dreg:$0x4] =	wrdreg s0  }
0xb0: {  	[dreg:$0x5] =	wrdreg s2  }
0xb1: {  	[dreg:$0x6] =	wrdreg $0x9  }
0xb2: {  	_ =	task.clear_ibuf [dreg:s7], $0x7FFFF;
	_ =	strace $0x90000046  }
0xb3: {  	s26 =	simm.s32 $0x9;
	_ =	strace $0x80000048  }
0xb4: {  	_ =	swait.ge [sflag:s26], $0x1  }
0xb5: {  	[sflag:s26] =	ssyncadd.s32 $0xFFFFFFFF  }
0xb6: {  	_ =	strace $0x90000048  }
0xb7: {  	_ =	sfence  }
0xb8: {  	s28 =	sld [smem:$0x0];
	_ =	sdelay $0x1  }
0xb9: {  	s29 =	srdreg.scid  }
0xba: {  	s30 =	sshll.u32 s29, $0xD;
	s31 =	sshrl.u32 s29, $0x2  }
0xbb: {  	s1 =	sand.u32 $0x1, s29;
	s2 =	sand.u32 $0x4000, s30;
	s0 =	sadd.s32 s31, s28  }
0xbc: {  	s1 =	sor.u32 s2, s1;
	s0 =	sshll.u32 s0, $0x11  }
0xbd: {  	s0 =	sor.u32 s0, s1  }
0xbe: {  	s0 =	sadd.s32 $0x8F2B, s0  }
0xbf: {  	[sflag:s0] =	ssyncadd.remote.s32 $0x1  }
0xc0: {  	_ =	sfence.sel $0xFFFF  }
0xc1: {  	[dreg:$0x0] =	wrdreg $0xFFFFFFFF;
	(pc) =	sbr.abs _section_cstart, $3  }
0xc2: {  	[dreg:$0x1] =	wrdreg $0xFFFFFFFF  }
0xc3: {  	_ =	task.clear_ibuf [dreg:s7], $0x2FFFF;
	_ =	strace $0x9FFFFFFF  }
0xc4: {  	(tm) =	ssettm $0x7FFFFFFF  }
0xc5: {  	_ =	shalt  }
tec
execute0_lowered:
.L_overlay_start_1:
0x0: {  	(tag) =	ssettag $0x1  }
0x1: {  	s3 =	rddreg [dreg:$0x0]  }
0x2: {  	s5 =	rddreg [dreg:$0x1]  }
0x3: {  	s6 =	rddreg [dreg:$0x2]  }
0x4: {  	s2 =	rddreg [dreg:$0x3]  }
0x5: {  	s0 =	rddreg [dreg:$0x4];
	s4 =	simm.s32 $0x0;
	s1 =	stileid.u32  }
0x6: {  	s20 =	simm.s32 $0x400;
	s21 =	simm.s32 $0x4000;
	[smem:$0x7FF] =	sst s4  }
0x7: {  	s7 =	sshll.u32 s1, $0x7;
	s8 =	sadd.s32 $0x400, s3;
	_ =	strace $0x80000047  }
0x8: {  	[tilespmem:s4], [sflag:$0x1] =	stream.linear.gather [hbm4b:s8+s4], $0x600, $0x38;
	[tilespmem:$0x2000] =	vst v63  }
0x9: {  	s9 =	simm.s32 $0x800;
	s3 =	sshll.u32 s1, $0x8;
	s5 =	sadd.s32 s5, s7  }
0xa: {  	[tilespmem:s9], [sflag:$0x2] =	stream.strided.gather [hbm4b:s5+s20], $0x1000, s21, s20, $0x38;
	[tilespmem:$0x2000] =	vst v63  }
0xb: {  	s23 =	simm.s32 $0x1800;
	s24 =	simm.s32 $0x1;
	s22 =	sadd.s32 s6, s3  }
0xc: {  	[tilespmem:s23], [sflag:$0x3] =	stream.linear.gather [hbm4b:s22+s4], $0x800, $0x38;
	[tilespmem:$0x2000] =	vst v63  }
0xd: {  	_ =	swait.ge [sflag:s24], $0x600  }
0xe: {  	[sflag:s24] =	ssyncset.done $0x0  }
0xf: {  	s25 =	simm.s32 $0x2;
	[sflag:s24] =	ssyncadd.s32 $0xFFFFFA00  }
0x10: {  	_ =	swait.ge [sflag:s25], $0x1000  }
0x11: {  	[sflag:s25] =	ssyncset.done $0x0  }
0x12: {  	s26 =	simm.s32 $0x3;
	[sflag:s25] =	ssyncadd.s32 $0xFFFFF000  }
0x13: {  	s29 =	simm.s32 $0x0;
	s28 =	sand.u32 $0x3, s4;
	_ =	swait.ge [sflag:s26], $0x800  }
0x14: {  	s30 =	sshll.u32 s28, $0xA;
	s7 =	sand.u32 $0x3FFFFF00, s29;
	[sflag:s26] =	ssyncset.done $0x0  }
0x15: {  	s7 =	sadd.s32 s7, s30;
	[sflag:s26] =	ssyncadd.s32 $0xFFFFF800  }
0x16: {  	v0 =	vld [tilespmem:s7+$0x870]  }
0x17: {  	v1 =	vld [tilespmem:s7+$0x8F0]  }
0x18: {  	v2 =	vld [tilespmem:s7+$0x800]  }
0x19: {  	v3 =	vld [tilespmem:s7+$0x880]  }
0x1a: {  	v4 =	vld [tilespmem:s7+$0x810]  }
0x1b: {  	v5 =	vld [tilespmem:s7+$0x890]  }
0x1c: {  	v6 =	vld [tilespmem:s7+$0x820]  }
0x1d: {  	v8 =	vld [tilespmem:s7+$0x8A0];
	v7 =	vand.u32 $0xFFFFFF80, v1;
	v0 =	vshll.u32 v0, $0x7  }
0x1e: {  	v9 =	vld [tilespmem:s7+$0x8B0];
	v1 =	vand.u32 $0x7F, v1;
	v0 =	vadd.s32 v0, v7  }
0x1f: {  	s31 =	simm.s32 $0x0;
	v7 =	vld [tilespmem:s7+$0x830];
	v0 =	vor.u32 v1, v0;
	v1 =	vshll.u32 v2, $0x7;
	v2 =	vand.u32 $0xFFFFFF80, v3  }
0x20: {  	s6 =	sshll.u32 s28, $0x7;
	s5 =	sand.u32 $0x3FFFFE00, s31;
	v10 =	vld [tilespmem:s7+$0x8C0];
	v3 =	vand.u32 $0x7F, v3;
	v1 =	vadd.s32 v1, v2  }
0x21: {  	s5 =	sor.u32 s6, s5;
	v4 =	vshll.u32 v4, $0x7;
	v2 =	vld [tilespmem:s7+$0x840];
	v1 =	vor.u32 v3, v1;
	v3 =	vand.u32 $0xFFFFFF80, v5  }
0x22: {  	v12 =	vld [tilespmem:s5+$0x1870];
	v5 =	vand.u32 $0x7F, v5;
	v3 =	vadd.s32 v4, v3;
	v4 =	vshll.u32 v6, $0x7  }
0x23: {  	v6 =	vld [tilespmem:s7+$0x850];
	v3 =	vor.u32 v5, v3;
	v5 =	vand.u32 $0xFFFFFF80, v8;
	v8 =	vand.u32 $0x7F, v8  }
0x24: {  	v11 =	vld.idx.msk [tilespmem:v0+s4+$0x0], $0xffff;
	v0 =	vadd.s32 v4, v5;
	v4 =	vshll.u32 v7, $0x7;
	v5 =	vand.u32 $0xFFFFFF80, v9  }
0x25: {  	v7 =	vand.u32 $0x7F, v9;
	v0 =	vor.u32 v8, v0;
	v4 =	vadd.s32 v4, v5;
	v5 =	vld [tilespmem:s7+$0x8D0]  }
0x26: {  	v2 =	vshll.u32 v2, $0x7;
	v8 =	vld [tilespmem:s7+$0x860];
	v4 =	vor.u32 v7, v4;
	v7 =	vand.u32 $0xFFFFFF80, v10  }
0x27: {  	v9 =	vand.u32 $0x7F, v10;
	v10 =	vld [tilespmem:s7+$0x8E0];
	v2 =	vadd.s32 v2, v7  }
0x28: {  	v13 =	vld.idx.msk [tilespmem:v1+s4+$0x0], $0xffff;
	v7 =	vor.u32 v9, v2  }
0x29: {  	v2 =	vld.idx.msk [tilespmem:v3+s4+$0x0], $0xffff  }
0x2a: {  	v3 =	vshll.u32 v6, $0x7;
	v0 =	vld.idx.msk [tilespmem:v0+s4+$0x0], $0xffff;
	v6 =	vand.u32 $0xFFFFFF80, v5  }
0x2b: {  	v5 =	vand.u32 $0x7F, v5;
	v1 =	vld.idx.msk [tilespmem:v4+s4+$0x0], $0xffff;
	v3 =	vadd.s32 v3, v6  }
0x2c: {  	v4 =	vld [tilespmem:s5+$0x1800];
	v14 =	vor.u32 v5, v3;
	v5 =	vshll.u32 v8, $0x7;
	v8 =	vand.u32 $0xFFFFFF80, v10  }
0x2d: {  	v10 =	vand.u32 $0x7F, v10;
	v3 =	vld.idx.msk [tilespmem:v7+s4+$0x0], $0xffff;
	v8 =	vadd.s32 v5, v8  }
0x2e: {  	v7 =	vld [tilespmem:s5+$0x1810];
	v8 =	vor.u32 v10, v8  }
0x2f: {  	v9 =	vadd.f32 v12, v11;
	v6 =	vld [tilespmem:s5+$0x1820]  }
0x30: {  	v5 =	vld [tilespmem:s5+$0x1830]  }
0x31: {  	s6 =	simm.s32 $0x0;
	s7 =	simm.s32 $0x0;
	[tilespmem:s5+$0x1870] =	vst v9;
	v9 =	vadd.f32 v4, v13;
	v4 =	vld.idx.msk [tilespmem:v14+s4+$0x0], $0xffff  }
.LBB2_1:
0x32: {  	s6 =	sadd.s32 $0x8, s6;
	v10 =	vld [tilespmem:s5+$0x1840];
	s7 =	sadd.s32 $0x1, s7  }
0x33: {  	s9 =	sand.u32 $0x3, s7;
	s8 =	sshll.u32 s6, $0x3;
	p0 =	slt.u32 s6, $0x78;
	[tilespmem:s5+$0x1800] =	vst v9;
	v2 =	vadd.f32 v7, v2;
	v7 =	vld.idx.msk [tilespmem:v8+s4+$0x0], $0xffff  }
0x34: {  	s10 =	sshll.u32 s9, $0xA;
	s8 =	sand.u32 $0x3FFFFF00, s8;
	v0 =	vadd.f32 v6, v0;
	v6 =	vld [tilespmem:s5+$0x1850]  }
0x35: {  	s8 =	sadd.s32 s8, s10;
	[tilespmem:s5+$0x1810] =	vst v2;
	v1 =	vadd.f32 v5, v1;
	v2 =	vld [tilespmem:s5+$0x1860]  }
0x36: {  	v5 =	vld [tilespmem:s8+$0x870];
	[tilespmem:s5+$0x1820] =	vst v0  }
0x37: {  	v0 =	vld [tilespmem:s8+$0x8F0];
	[tilespmem:s5+$0x1830] =	vst v1;
	v1 =	vadd.f32 v10, v3  }
0x38: {  	v3 =	vld [tilespmem:s8+$0x800]  }
0x39: {  	v8 =	vld [tilespmem:s8+$0x880];
	[tilespmem:s5+$0x1840] =	vst v1;
	v1 =	vadd.f32 v6, v4  }
0x3a: {  	v4 =	vld [tilespmem:s8+$0x810];
	v2 =	vadd.f32 v2, v7  }
0x3b: {  	v6 =	vld [tilespmem:s8+$0x890];
	[tilespmem:s5+$0x1850] =	vst v1  }
0x3c: {  	v5 =	vshll.u32 v5, $0x7;
	v1 =	vld [tilespmem:s8+$0x820];
	v7 =	vand.u32 $0xFFFFFF80, v0;
	[tilespmem:s5+$0x1860] =	vst v2  }
0x3d: {  	v0 =	vand.u32 $0x7F, v0;
	v2 =	vshll.u32 v3, $0x7;
	v3 =	vld [tilespmem:s8+$0x8A0];
	v5 =	vadd.s32 v5, v7  }
0x3e: {  	v7 =	vand.u32 $0xFFFFFF80, v8;
	v8 =	vand.u32 $0x7F, v8;
	v9 =	vld [tilespmem:s8+$0x830];
	v0 =	vor.u32 v0, v5  }
0x3f: {  	v2 =	vadd.s32 v2, v7;
	v4 =	vshll.u32 v4, $0x7;
	v5 =	vld [tilespmem:s8+$0x8B0]  }
0x40: {  	v2 =	vor.u32 v8, v2;
	v7 =	vand.u32 $0xFFFFFF80, v6;
	v6 =	vand.u32 $0x7F, v6;
	v8 =	vld [tilespmem:s8+$0x840]  }
0x41: {  	s5 =	sshll.u32 s6, $0x4;
	v4 =	vadd.s32 v4, v7;
	v1 =	vshll.u32 v1, $0x7;
	v7 =	vld [tilespmem:s8+$0x8C0]  }
0x42: {  	s9 =	sshll.u32 s9, $0x7;
	s5 =	sand.u32 $0x3FFFFE00, s5;
	v4 =	vor.u32 v6, v4;
	v6 =	vand.u32 $0xFFFFFF80, v3;
	v3 =	vand.u32 $0x7F, v3;
	v10 =	vld [tilespmem:s8+$0x850]  }
0x43: {  	s5 =	sor.u32 s9, s5;
	v1 =	vadd.s32 v1, v6;
	v6 =	vshll.u32 v9, $0x7;
	v0 =	vld.idx.msk [tilespmem:v0+s4+$0x0], $0xffff  }
0x44: {  	v1 =	vor.u32 v3, v1;
	v3 =	vand.u32 $0xFFFFFF80, v5;
	v5 =	vand.u32 $0x7F, v5;
	v9 =	vld [tilespmem:s5+$0x1870]  }
0x45: {  	v3 =	vadd.s32 v6, v3;
	v6 =	vshll.u32 v8, $0x7;
	v8 =	vld [tilespmem:s8+$0x8D0]  }
0x46: {  	v3 =	vor.u32 v5, v3;
	v5 =	vand.u32 $0xFFFFFF80, v7;
	v7 =	vand.u32 $0x7F, v7;
	v11 =	vld [tilespmem:s8+$0x860]  }
0x47: {  	v5 =	vadd.s32 v6, v5;
	v6 =	vshll.u32 v10, $0x7;
	v10 =	vld [tilespmem:s8+$0x8E0]  }
0x48: {  	v12 =	vld.idx.msk [tilespmem:v2+s4+$0x0], $0xffff;
	v5 =	vor.u32 v7, v5  }
0x49: {  	v2 =	vld.idx.msk [tilespmem:v4+s4+$0x0], $0xffff;
	v4 =	vadd.f32 v9, v0  }
0x4a: {  	v0 =	vld.idx.msk [tilespmem:v1+s4+$0x0], $0xffff;
	v7 =	vand.u32 $0xFFFFFF80, v8;
	v8 =	vand.u32 $0x7F, v8  }
0x4b: {  	v1 =	vld.idx.msk [tilespmem:v3+s4+$0x0], $0xffff;
	v3 =	vadd.s32 v6, v7;
	v6 =	vshll.u32 v11, $0x7;
	[tilespmem:s5+$0x1870] =	vst v4  }
0x4c: {  	v4 =	vld [tilespmem:s5+$0x1800];
	v11 =	vor.u32 v8, v3;
	v7 =	vand.u32 $0xFFFFFF80, v10;
	v8 =	vand.u32 $0x7F, v10  }
.Ltmp0:
0x4d: {  	v3 =	vld.idx.msk [tilespmem:v5+s4+$0x0], $0xffff;
	v5 =	vadd.s32 v6, v7;
	(pc) =	sbr.rel @p0 .LBB2_1-.Ltmp0, $4  }
0x4e: {  	v7 =	vld [tilespmem:s5+$0x1810];
	v8 =	vor.u32 v8, v5  }
0x4f: {  	v6 =	vld [tilespmem:s5+$0x1820]  }
0x50: {  	v5 =	vld [tilespmem:s5+$0x1830]  }
0x51: {  	v9 =	vadd.f32 v4, v12;
	v4 =	vld.idx.msk [tilespmem:v11+s4+$0x0], $0xffff  }
0x52: {  	_ =	sdelay $0x2  }
0x53: {  	v10 =	vld [tilespmem:s5+$0x1840]  }
0x54: {  	v8 =	vld.idx.msk [tilespmem:v8+s4+$0x0], $0xffff  }
0x55: {  	v11 =	vld [tilespmem:s5+$0x1850]  }
0x56: {  	v60 =	vld [tilespmem:s5+$0x1860];
	v2 =	vadd.f32 v7, v2  }
0x57: {  	[tilespmem:s5+$0x1800] =	vst v9;
	v0 =	vadd.f32 v6, v0  }
0x58: {  	[tilespmem:s5+$0x1810] =	vst v2;
	v1 =	vadd.f32 v5, v1  }
0x59: {  	[tilespmem:s5+$0x1820] =	vst v0;
	v61 =	vadd.f32 v10, v3  }
0x5a: {  	[tilespmem:s5+$0x1830] =	vst v1;
	v62 =	vadd.f32 v11, v4  }
0x5b: {  	v63 =	vadd.f32 v60, v8;
	[tilespmem:s5+$0x1840] =	vst v61  }
0x5c: {  	s2 =	sadd.s32 s2, s3;
	[tilespmem:s5+$0x1850] =	vst v62  }
0x5d: {  	s29 =	simm.s32 $0x0;
	s30 =	simm.s32 $0x1800;
	s31 =	simm.s32 $0x4;
	[tilespmem:s5+$0x1860] =	vst v63  }
0x5e: {  	[hbm4b:s2+s29] =	stream.linear.scatter [tilespmem:s30], [sflag:$0x4], $0x800, $0x38;
	[tilespmem:$0x2000] =	vst v63  }
0x5f: {  	_ =	swait.ge [sflag:s31], $0x800  }
0x60: {  	[sflag:s31] =	ssyncset.done $0x0  }
0x61: {  	[sflag:s31] =	ssyncadd.s32 $0xFFFFF800  }
0x62: {  	_ =	sfence.sel $0x180000  }
0x63: {  	[bflag:$0x0] =	sbarrier.arrive $0xFFFF  }
0x64: {  	p0 =	sne.s32 s1, $0x0;
	_ =	strace $0x90000047  }
0x65: {  	s0 =	sadd.s32 @!p0 $0x100000, s0;
	[bflag:$0x2] =	sbarrier.arrive $0xFFFF  }
0x66: {  	[sflag:s0] =	ssyncadd.tile.s32 @!p0 $0x1;
	_ =	shalt  }
.Lfunc_end2:
_tile_overlayer_lowered:
.L_overlay_start_2:
0x67: {  	(tag) =	ssettag $0x2  }
0x68: {  	s0 =	rddreg [dreg:$0x0];
	s2 =	stileid.u32  }
0x69: {  	s1 =	rddreg [dreg:$0x1];
	p0 =	sne.s32 s2, $0x0  }
0x6a: {  	s3 =	rddreg [dreg:$0x2];
	[bflag:$0x3] =	sbarrier.arrive $0xFFFF;
	s2 =	simm.s32 @!p0 $0x1C04  }
0x6b: {  	[timem:s3], [sflag:s2] =	dma.local @!p0 [hbm:s0], s1  }
0x6c: {  	s0 =	simm.s32 @!p0 $0x4  }
0x6d: {  	_ =	swait.ge @!p0 [sflag:s0], s1  }
0x6e: {  	s1 =	ssub.s32 @!p0 $0x0, s1;
	[sflag:s0] =	ssyncset.done @!p0 $0x0  }
0x6f: {  	[sflag:s0] =	ssyncadd.s32 @!p0 s1  }
0x70: {  	[bflag:$0x3] =	sbarrier.arrive $0xFFFF  }
0x71: {  	_ =	shalt  }

</sc_bundles>
